<compile_context>
chip_gen: v7x
topology: tpu7x:2x2x1
jax: 0.10.2.dev20260603
libtpu: 0.0.44.dev20260713+nightly
codegen_flags: <defaults>
</compile_context>

<pallas_src>
import functools

import jax
import jax.numpy as jnp
from jax import lax
from jax.experimental import pallas as pl
from jax.experimental.pallas import tpu as pltpu
from jax.experimental.pallas import tpu_sc as plsc

NUM_POPULATIONS = 100000
TOTAL_EMB = NUM_POPULATIONS + 1
EMB_DIM = 64
BATCH = 16384
LN_EPS = 1e-12

L = 16
NC = 2
NS = 16
HALF_B = BATCH // NC
F_PER_T = EMB_DIM // NS
IDX_TILE = 4096
N_GROUPS = HALF_B // L
SQ_ROWS = HALF_B // 128

_GDN = lax.GatherDimensionNumbers(
    offset_dims=(), collapsed_slice_dims=(0,), start_index_map=(0,)
)


def _splat_lane(v, lane):
    idx = jnp.full((L,), lane, jnp.int32)
    return lax.gather(v, idx[:, None], _GDN, slice_sizes=(1,),
                      mode=lax.GatherScatterMode.PROMISE_IN_BOUNDS)


def _rsqrt16(v):
    i = lax.bitcast_convert_type(v, jnp.int32)
    i = jnp.int32(0x5F3759DF) - (i >> 1)
    y = lax.bitcast_convert_type(i, jnp.float32)
    half_v = 0.5 * v
    for _ in range(2):
        y = y * (1.5 - half_v * y * y)
    return y


def _make_kernel():
    mesh = plsc.VectorSubcoreMesh(core_axis_name="c", subcore_axis_name="s")

    @functools.partial(
        pl.kernel,
        mesh=mesh,
        out_type=jax.ShapeDtypeStruct((EMB_DIM, BATCH), jnp.float32),
        scratch_types=[
            pltpu.VMEM((TOTAL_EMB,), jnp.float32),
            pltpu.VMEM((IDX_TILE,), jnp.int32),
            pltpu.VMEM((HALF_B,), jnp.float32),
            pltpu.VMEM((SQ_ROWS, 128), jnp.float32),
            pltpu.VMEM((SQ_ROWS, 128), jnp.float32),
            pltpu.VMEM((SQ_ROWS,), jnp.int32),
            pltpu.VMEM((2 * EMB_DIM,), jnp.float32),
            pltpu.VMEM_SHARED((SQ_ROWS, 128), jnp.float32),
            pltpu.VMEM_SHARED((SQ_ROWS, 128), jnp.float32),
        ],
        compiler_params=pltpu.CompilerParams(needs_layout_passes=False),
    )
    def k(ids_hbm, tableT_hbm, gamma_hbm, beta_hbm, outT_hbm,
          row_v, idx_v, gath_v, s_v, q_v, idx64_v, gb_v, s_sh, q_sh):
        sc = lax.axis_index("c")
        tec = lax.axis_index("s")
        rbase = sc * HALF_B

        pltpu.sync_copy(gamma_hbm, gb_v.at[pl.ds(0, EMB_DIM)])
        pltpu.sync_copy(beta_hbm, gb_v.at[pl.ds(EMB_DIM, EMB_DIM)])
        lanes = lax.iota(jnp.int32, L)
        for t in range(SQ_ROWS // L):
            idx64_v[pl.ds(t * L, L)] = lanes + t * L

        for f4 in range(F_PER_T):
            f = tec * F_PER_T + f4
            pltpu.sync_copy(tableT_hbm.at[f], row_v)
        pltpu.sync_copy(row_v.at[pl.ds(0, HALF_B)],
                        outT_hbm.at[tec, pl.ds(rbase, HALF_B)])

    return k


_kernel = _make_kernel()


def kernel(population_ids, embedding_weight, ln_gamma, ln_beta):
    ids = population_ids
    if ids.ndim > 1:
        ids = ids.squeeze(-1)
    ids = ids.astype(jnp.int32)
    outT = _kernel(ids, embedding_weight.T, ln_gamma, ln_beta)
    return outT.T

# --- scband reference (transcript-rebuilt; emitter-appended) ---
"""Pipeline reference for scband-population-embedding-59571196395610 (READ-ONLY COPY).

The authoritative reference and input builder live on the scoring server;
editing this copy changes nothing except your own understanding.
"""

import jax, jax.numpy as jnp
import numpy as np

NUM_POPULATIONS = 100000
TOTAL_EMB = NUM_POPULATIONS + 1
EMB_DIM = 64
BATCH = 16384
LN_EPS = 1e-12


def setup_inputs(seed: int = 0) -> dict:
    key = jax.random.key(seed)
    k_ids, k_tab = jax.random.split(key)
    population_ids = jax.random.randint(k_ids, (BATCH,), 0, TOTAL_EMB, dtype=jnp.int64 if jax.config.read('jax_enable_x64') else jnp.int32)
    # trunc_normal_(std=0.02): approximate with clipped normal in [-2*std, 2*std]
    w = jax.random.truncated_normal(k_tab, -2.0, 2.0, (TOTAL_EMB, EMB_DIM), dtype=jnp.float32) * 0.02
    gamma = jnp.ones((EMB_DIM,), dtype=jnp.float32)
    beta = jnp.zeros((EMB_DIM,), dtype=jnp.float32)
    return {"population_ids": population_ids, "embedding_weight": w, "ln_gamma": gamma, "ln_beta": beta}


def reference(population_ids, embedding_weight, ln_gamma, ln_beta):
    ids = population_ids
    if ids.ndim > 1:
        ids = ids.squeeze(-1)
    # embedding lookup (gather)
    x = jnp.take(embedding_weight, ids, axis=0)
    # LayerNorm(eps=1e-12)
    mean = jnp.mean(x, axis=-1, keepdims=True)
    var = jnp.mean(jnp.square(x - mean), axis=-1, keepdims=True)
    x = (x - mean) / jnp.sqrt(var + LN_EPS)
    x = x * ln_gamma + ln_beta
    # dropout is identity at inference
    return x

if __name__ == "__main__":
    import jax
    _d = setup_inputs()
    print(jax.jit(kernel)(*tuple(_d.values())))

</pallas_src>

<mosaic_0001>
#map = affine_map<(d0, d1) -> (0)>
#map1 = affine_map<(d0, d1) -> (0, 0)>
module attributes {stable_mosaic.version = 14 : i64} {
  func.func @k(%arg0: i32, %arg1: i32, %arg2: memref<16384xi32, #tpu.memory_space<hbm>>, %arg3: memref<64x100001xf32, #tpu.memory_space<hbm>>, %arg4: memref<64xf32, #tpu.memory_space<hbm>>, %arg5: memref<64xf32, #tpu.memory_space<hbm>>, %arg6: memref<64x16384xf32, #tpu.memory_space<hbm>>, %arg7: memref<100001xf32, #tpu.memory_space<vmem>>, %arg8: memref<4096xi32, #tpu.memory_space<vmem>>, %arg9: memref<8192xf32, #tpu.memory_space<vmem>>, %arg10: memref<64x128xf32, #tpu.memory_space<vmem>>, %arg11: memref<64x128xf32, #tpu.memory_space<vmem>>, %arg12: memref<64xi32, #tpu.memory_space<vmem>>, %arg13: memref<128xf32, #tpu.memory_space<vmem>>, %arg14: memref<64x128xf32, #tpu.memory_space<vmem_shared>>, %arg15: memref<64x128xf32, #tpu.memory_space<vmem_shared>>) attributes {dimension_semantics = [#tpu.dimension_semantics<core_parallel>, #tpu.dimension_semantics<subcore_parallel>], iteration_bounds = array<i64: 2, 16>, scalar_prefetch = 0 : i64, scratch_operands = 9 : i64, tpu.core_type = #tpu.core_type<sc_vector_subcore>, window_params = [{transform_indices = #map}, {transform_indices = #map1}, {transform_indices = #map}, {transform_indices = #map}, {transform_indices = #map1}]} {
    %mul3A = arith.constant 8192 : i32
    %mul3A_0 = arith.muli %arg0, %mul3A : i32
    "tpu.region"() ({
      %run_scoped3A = tpu.sem_alloc : memref<!tpu.dma_semaphore, #tpu.memory_space<semaphore_mem>>
      %dma_start3A = arith.constant 0 : i32
      %dma_start3A_35 = tpu.memref_slice %arg13[%dma_start3A] : memref<128xf32, #tpu.memory_space<vmem>> -> memref<64xf32, #tpu.memory_space<vmem>>
      %dma_start3A_36 = arith.constant 0 : i32
      %dma_start3A_37 = tpu.memref_slice %arg13[%dma_start3A_36] : memref<128xf32, #tpu.memory_space<vmem>> -> memref<64xf32, #tpu.memory_space<vmem>>
      tpu.enqueue_dma source(%arg4 : memref<64xf32, #tpu.memory_space<hbm>>) target(%dma_start3A_37 : memref<64xf32, #tpu.memory_space<vmem>>) target_semaphore(%run_scoped3A : memref<!tpu.dma_semaphore, #tpu.memory_space<semaphore_mem>>)
      %dma_wait3A = arith.constant 0 : i32
      %dma_wait3A_38 = tpu.memref_slice %arg13[%dma_wait3A] : memref<128xf32, #tpu.memory_space<vmem>> -> memref<64xf32, #tpu.memory_space<vmem>>
      %dma_wait3A_39 = arith.constant 0 : i32
      %dma_wait3A_40 = tpu.memref_slice %arg13[%dma_wait3A_39] : memref<128xf32, #tpu.memory_space<vmem>> -> memref<64xf32, #tpu.memory_space<vmem>>
      tpu.wait_dma2 semaphore(%run_scoped3A : memref<!tpu.dma_semaphore, #tpu.memory_space<semaphore_mem>>) src(%arg4 : memref<64xf32, #tpu.memory_space<hbm>>) dst(%dma_wait3A_40 : memref<64xf32, #tpu.memory_space<vmem>>)
      tpu.yield
    }) : () -> ()
    "tpu.region"() ({
      %run_scoped3A = tpu.sem_alloc : memref<!tpu.dma_semaphore, #tpu.memory_space<semaphore_mem>>
      %dma_start3A = arith.constant 64 : i32
      %dma_start3A_35 = tpu.memref_slice %arg13[%dma_start3A] : memref<128xf32, #tpu.memory_space<vmem>> -> memref<64xf32, #tpu.memory_space<vmem>>
      %dma_start3A_36 = arith.constant 64 : i32
      %dma_start3A_37 = tpu.memref_slice %arg13[%dma_start3A_36] : memref<128xf32, #tpu.memory_space<vmem>> -> memref<64xf32, #tpu.memory_space<vmem>>
      tpu.enqueue_dma source(%arg5 : memref<64xf32, #tpu.memory_space<hbm>>) target(%dma_start3A_37 : memref<64xf32, #tpu.memory_space<vmem>>) target_semaphore(%run_scoped3A : memref<!tpu.dma_semaphore, #tpu.memory_space<semaphore_mem>>)
      %dma_wait3A = arith.constant 64 : i32
      %dma_wait3A_38 = tpu.memref_slice %arg13[%dma_wait3A] : memref<128xf32, #tpu.memory_space<vmem>> -> memref<64xf32, #tpu.memory_space<vmem>>
      %dma_wait3A_39 = arith.constant 64 : i32
      %dma_wait3A_40 = tpu.memref_slice %arg13[%dma_wait3A_39] : memref<128xf32, #tpu.memory_space<vmem>> -> memref<64xf32, #tpu.memory_space<vmem>>
      tpu.wait_dma2 semaphore(%run_scoped3A : memref<!tpu.dma_semaphore, #tpu.memory_space<semaphore_mem>>) src(%arg5 : memref<64xf32, #tpu.memory_space<hbm>>) dst(%dma_wait3A_40 : memref<64xf32, #tpu.memory_space<vmem>>)
      tpu.yield
    }) : () -> ()
    %iota3A = tpu.iota {dimensions = array<i32: 0>} : vector<16xi32>
    %add3A = arith.constant 0 : i32
    %add3A_1 = vector.broadcast %add3A : i32 to vector<16xi32>
    %add3A_2 = arith.addi %iota3A, %add3A_1 : vector<16xi32>
    %swap3A = arith.constant 0 : index
    %swap3A_3 = tpu.vector_load %arg12[%swap3A] {strides = array<i32>} : memref<64xi32, #tpu.memory_space<vmem>>, vector<16xi32>,
    tpu.vector_store %arg12[%swap3A], %add3A_2 {strides = array<i32>} : memref<64xi32, #tpu.memory_space<vmem>>, vector<16xi32>,
    %add3A_4 = arith.constant 16 : i32
    %add3A_5 = vector.broadcast %add3A_4 : i32 to vector<16xi32>
    %add3A_6 = arith.addi %iota3A, %add3A_5 : vector<16xi32>
    %swap3A_7 = arith.constant 16 : index
    %swap3A_8 = tpu.vector_load %arg12[%swap3A_7] {strides = array<i32>} : memref<64xi32, #tpu.memory_space<vmem>>, vector<16xi32>,
    tpu.vector_store %arg12[%swap3A_7], %add3A_6 {strides = array<i32>} : memref<64xi32, #tpu.memory_space<vmem>>, vector<16xi32>,
    %add3A_9 = arith.constant 32 : i32
    %add3A_10 = vector.broadcast %add3A_9 : i32 to vector<16xi32>
    %add3A_11 = arith.addi %iota3A, %add3A_10 : vector<16xi32>
    %swap3A_12 = arith.constant 32 : index
    %swap3A_13 = tpu.vector_load %arg12[%swap3A_12] {strides = array<i32>} : memref<64xi32, #tpu.memory_space<vmem>>, vector<16xi32>,
    tpu.vector_store %arg12[%swap3A_12], %add3A_11 {strides = array<i32>} : memref<64xi32, #tpu.memory_space<vmem>>, vector<16xi32>,
    %add3A_14 = arith.constant 48 : i32
    %add3A_15 = vector.broadcast %add3A_14 : i32 to vector<16xi32>
    %add3A_16 = arith.addi %iota3A, %add3A_15 : vector<16xi32>
    %swap3A_17 = arith.constant 48 : index
    %swap3A_18 = tpu.vector_load %arg12[%swap3A_17] {strides = array<i32>} : memref<64xi32, #tpu.memory_space<vmem>>, vector<16xi32>,
    tpu.vector_store %arg12[%swap3A_17], %add3A_16 {strides = array<i32>} : memref<64xi32, #tpu.memory_space<vmem>>, vector<16xi32>,
    %mul3A_19 = arith.constant 4 : i32
    %mul3A_20 = arith.muli %arg1, %mul3A_19 : i32
    %add3A_21 = arith.constant 0 : i32
    %add3A_22 = arith.addi %mul3A_20, %add3A_21 : i32
    "tpu.region"() ({
      %run_scoped3A = tpu.sem_alloc : memref<!tpu.dma_semaphore, #tpu.memory_space<semaphore_mem>>
      %dma_start3A = arith.constant 0 : i32
      %dma_start3A_35 = tpu.memref_slice %arg3[%add3A_22, %dma_start3A] : memref<64x100001xf32, #tpu.memory_space<hbm>> -> memref<1x100001xf32, #tpu.memory_space<hbm>>
      %dma_start3A_36 = tpu.memref_squeeze %dma_start3A_35 : memref<1x100001xf32, #tpu.memory_space<hbm>> -> memref<100001xf32, #tpu.memory_space<hbm>>
      %dma_start3A_37 = arith.constant 0 : i32
      %dma_start3A_38 = tpu.memref_slice %arg3[%add3A_22, %dma_start3A_37] : memref<64x100001xf32, #tpu.memory_space<hbm>> -> memref<1x100001xf32, #tpu.memory_space<hbm>>
      %dma_start3A_39 = tpu.memref_squeeze %dma_start3A_38 : memref<1x100001xf32, #tpu.memory_space<hbm>> -> memref<100001xf32, #tpu.memory_space<hbm>>
      tpu.enqueue_dma source(%dma_start3A_39 : memref<100001xf32, #tpu.memory_space<hbm>>) target(%arg7 : memref<100001xf32, #tpu.memory_space<vmem>>) target_semaphore(%run_scoped3A : memref<!tpu.dma_semaphore, #tpu.memory_space<semaphore_mem>>)
      %dma_wait3A = arith.constant 0 : i32
      %dma_wait3A_40 = tpu.memref_slice %arg3[%add3A_22, %dma_wait3A] : memref<64x100001xf32, #tpu.memory_space<hbm>> -> memref<1x100001xf32, #tpu.memory_space<hbm>>
      %dma_wait3A_41 = tpu.memref_squeeze %dma_wait3A_40 : memref<1x100001xf32, #tpu.memory_space<hbm>> -> memref<100001xf32, #tpu.memory_space<hbm>>
      %dma_wait3A_42 = arith.constant 0 : i32
      %dma_wait3A_43 = tpu.memref_slice %arg3[%add3A_22, %dma_wait3A_42] : memref<64x100001xf32, #tpu.memory_space<hbm>> -> memref<1x100001xf32, #tpu.memory_space<hbm>>
      %dma_wait3A_44 = tpu.memref_squeeze %dma_wait3A_43 : memref<1x100001xf32, #tpu.memory_space<hbm>> -> memref<100001xf32, #tpu.memory_space<hbm>>
      tpu.wait_dma2 semaphore(%run_scoped3A : memref<!tpu.dma_semaphore, #tpu.memory_space<semaphore_mem>>) src(%dma_wait3A_44 : memref<100001xf32, #tpu.memory_space<hbm>>) dst(%arg7 : memref<100001xf32, #tpu.memory_space<vmem>>)
      tpu.yield
    }) : () -> ()
    %mul3A_23 = arith.constant 4 : i32
    %mul3A_24 = arith.muli %arg1, %mul3A_23 : i32
    %add3A_25 = arith.constant 1 : i32
    %add3A_26 = arith.addi %mul3A_24, %add3A_25 : i32
    "tpu.region"() ({
      %run_scoped3A = tpu.sem_alloc : memref<!tpu.dma_semaphore, #tpu.memory_space<semaphore_mem>>
      %dma_start3A = arith.constant 0 : i32
      %dma_start3A_35 = tpu.memref_slice %arg3[%add3A_26, %dma_start3A] : memref<64x100001xf32, #tpu.memory_space<hbm>> -> memref<1x100001xf32, #tpu.memory_space<hbm>>
      %dma_start3A_36 = tpu.memref_squeeze %dma_start3A_35 : memref<1x100001xf32, #tpu.memory_space<hbm>> -> memref<100001xf32, #tpu.memory_space<hbm>>
      %dma_start3A_37 = arith.constant 0 : i32
      %dma_start3A_38 = tpu.memref_slice %arg3[%add3A_26, %dma_start3A_37] : memref<64x100001xf32, #tpu.memory_space<hbm>> -> memref<1x100001xf32, #tpu.memory_space<hbm>>
      %dma_start3A_39 = tpu.memref_squeeze %dma_start3A_38 : memref<1x100001xf32, #tpu.memory_space<hbm>> -> memref<100001xf32, #tpu.memory_space<hbm>>
      tpu.enqueue_dma source(%dma_start3A_39 : memref<100001xf32, #tpu.memory_space<hbm>>) target(%arg7 : memref<100001xf32, #tpu.memory_space<vmem>>) target_semaphore(%run_scoped3A : memref<!tpu.dma_semaphore, #tpu.memory_space<semaphore_mem>>)
      %dma_wait3A = arith.constant 0 : i32
      %dma_wait3A_40 = tpu.memref_slice %arg3[%add3A_26, %dma_wait3A] : memref<64x100001xf32, #tpu.memory_space<hbm>> -> memref<1x100001xf32, #tpu.memory_space<hbm>>
      %dma_wait3A_41 = tpu.memref_squeeze %dma_wait3A_40 : memref<1x100001xf32, #tpu.memory_space<hbm>> -> memref<100001xf32, #tpu.memory_space<hbm>>
      %dma_wait3A_42 = arith.constant 0 : i32
      %dma_wait3A_43 = tpu.memref_slice %arg3[%add3A_26, %dma_wait3A_42] : memref<64x100001xf32, #tpu.memory_space<hbm>> -> memref<1x100001xf32, #tpu.memory_space<hbm>>
      %dma_wait3A_44 = tpu.memref_squeeze %dma_wait3A_43 : memref<1x100001xf32, #tpu.memory_space<hbm>> -> memref<100001xf32, #tpu.memory_space<hbm>>
      tpu.wait_dma2 semaphore(%run_scoped3A : memref<!tpu.dma_semaphore, #tpu.memory_space<semaphore_mem>>) src(%dma_wait3A_44 : memref<100001xf32, #tpu.memory_space<hbm>>) dst(%arg7 : memref<100001xf32, #tpu.memory_space<vmem>>)
      tpu.yield
    }) : () -> ()
    %mul3A_27 = arith.constant 4 : i32
    %mul3A_28 = arith.muli %arg1, %mul3A_27 : i32
    %add3A_29 = arith.constant 2 : i32
    %add3A_30 = arith.addi %mul3A_28, %add3A_29 : i32
    "tpu.region"() ({
      %run_scoped3A = tpu.sem_alloc : memref<!tpu.dma_semaphore, #tpu.memory_space<semaphore_mem>>
      %dma_start3A = arith.constant 0 : i32
      %dma_start3A_35 = tpu.memref_slice %arg3[%add3A_30, %dma_start3A] : memref<64x100001xf32, #tpu.memory_space<hbm>> -> memref<1x100001xf32, #tpu.memory_space<hbm>>
      %dma_start3A_36 = tpu.memref_squeeze %dma_start3A_35 : memref<1x100001xf32, #tpu.memory_space<hbm>> -> memref<100001xf32, #tpu.memory_space<hbm>>
      %dma_start3A_37 = arith.constant 0 : i32
      %dma_start3A_38 = tpu.memref_slice %arg3[%add3A_30, %dma_start3A_37] : memref<64x100001xf32, #tpu.memory_space<hbm>> -> memref<1x100001xf32, #tpu.memory_space<hbm>>
      %dma_start3A_39 = tpu.memref_squeeze %dma_start3A_38 : memref<1x100001xf32, #tpu.memory_space<hbm>> -> memref<100001xf32, #tpu.memory_space<hbm>>
      tpu.enqueue_dma source(%dma_start3A_39 : memref<100001xf32, #tpu.memory_space<hbm>>) target(%arg7 : memref<100001xf32, #tpu.memory_space<vmem>>) target_semaphore(%run_scoped3A : memref<!tpu.dma_semaphore, #tpu.memory_space<semaphore_mem>>)
      %dma_wait3A = arith.constant 0 : i32
      %dma_wait3A_40 = tpu.memref_slice %arg3[%add3A_30, %dma_wait3A] : memref<64x100001xf32, #tpu.memory_space<hbm>> -> memref<1x100001xf32, #tpu.memory_space<hbm>>
      %dma_wait3A_41 = tpu.memref_squeeze %dma_wait3A_40 : memref<1x100001xf32, #tpu.memory_space<hbm>> -> memref<100001xf32, #tpu.memory_space<hbm>>
      %dma_wait3A_42 = arith.constant 0 : i32
      %dma_wait3A_43 = tpu.memref_slice %arg3[%add3A_30, %dma_wait3A_42] : memref<64x100001xf32, #tpu.memory_space<hbm>> -> memref<1x100001xf32, #tpu.memory_space<hbm>>
      %dma_wait3A_44 = tpu.memref_squeeze %dma_wait3A_43 : memref<1x100001xf32, #tpu.memory_space<hbm>> -> memref<100001xf32, #tpu.memory_space<hbm>>
      tpu.wait_dma2 semaphore(%run_scoped3A : memref<!tpu.dma_semaphore, #tpu.memory_space<semaphore_mem>>) src(%dma_wait3A_44 : memref<100001xf32, #tpu.memory_space<hbm>>) dst(%arg7 : memref<100001xf32, #tpu.memory_space<vmem>>)
      tpu.yield
    }) : () -> ()
    %mul3A_31 = arith.constant 4 : i32
    %mul3A_32 = arith.muli %arg1, %mul3A_31 : i32
    %add3A_33 = arith.constant 3 : i32
    %add3A_34 = arith.addi %mul3A_32, %add3A_33 : i32
    "tpu.region"() ({
      %run_scoped3A = tpu.sem_alloc : memref<!tpu.dma_semaphore, #tpu.memory_space<semaphore_mem>>
      %dma_start3A = arith.constant 0 : i32
      %dma_start3A_35 = tpu.memref_slice %arg3[%add3A_34, %dma_start3A] : memref<64x100001xf32, #tpu.memory_space<hbm>> -> memref<1x100001xf32, #tpu.memory_space<hbm>>
      %dma_start3A_36 = tpu.memref_squeeze %dma_start3A_35 : memref<1x100001xf32, #tpu.memory_space<hbm>> -> memref<100001xf32, #tpu.memory_space<hbm>>
      %dma_start3A_37 = arith.constant 0 : i32
      %dma_start3A_38 = tpu.memref_slice %arg3[%add3A_34, %dma_start3A_37] : memref<64x100001xf32, #tpu.memory_space<hbm>> -> memref<1x100001xf32, #tpu.memory_space<hbm>>
      %dma_start3A_39 = tpu.memref_squeeze %dma_start3A_38 : memref<1x100001xf32, #tpu.memory_space<hbm>> -> memref<100001xf32, #tpu.memory_space<hbm>>
      tpu.enqueue_dma source(%dma_start3A_39 : memref<100001xf32, #tpu.memory_space<hbm>>) target(%arg7 : memref<100001xf32, #tpu.memory_space<vmem>>) target_semaphore(%run_scoped3A : memref<!tpu.dma_semaphore, #tpu.memory_space<semaphore_mem>>)
      %dma_wait3A = arith.constant 0 : i32
      %dma_wait3A_40 = tpu.memref_slice %arg3[%add3A_34, %dma_wait3A] : memref<64x100001xf32, #tpu.memory_space<hbm>> -> memref<1x100001xf32, #tpu.memory_space<hbm>>
      %dma_wait3A_41 = tpu.memref_squeeze %dma_wait3A_40 : memref<1x100001xf32, #tpu.memory_space<hbm>> -> memref<100001xf32, #tpu.memory_space<hbm>>
      %dma_wait3A_42 = arith.constant 0 : i32
      %dma_wait3A_43 = tpu.memref_slice %arg3[%add3A_34, %dma_wait3A_42] : memref<64x100001xf32, #tpu.memory_space<hbm>> -> memref<1x100001xf32, #tpu.memory_space<hbm>>
      %dma_wait3A_44 = tpu.memref_squeeze %dma_wait3A_43 : memref<1x100001xf32, #tpu.memory_space<hbm>> -> memref<100001xf32, #tpu.memory_space<hbm>>
      tpu.wait_dma2 semaphore(%run_scoped3A : memref<!tpu.dma_semaphore, #tpu.memory_space<semaphore_mem>>) src(%dma_wait3A_44 : memref<100001xf32, #tpu.memory_space<hbm>>) dst(%arg7 : memref<100001xf32, #tpu.memory_space<vmem>>)
      tpu.yield
    }) : () -> ()
    "tpu.region"() ({
      %run_scoped3A = tpu.sem_alloc : memref<!tpu.dma_semaphore, #tpu.memory_space<semaphore_mem>>
      %dma_start3A = arith.constant 0 : i32
      %dma_start3A_35 = tpu.memref_slice %arg7[%dma_start3A] : memref<100001xf32, #tpu.memory_space<vmem>> -> memref<8192xf32, #tpu.memory_space<vmem>>
      %dma_start3A_36 = tpu.memref_slice %arg6[%arg1, %mul3A_0] : memref<64x16384xf32, #tpu.memory_space<hbm>> -> memref<1x8192xf32, #tpu.memory_space<hbm>>
      %dma_start3A_37 = tpu.memref_squeeze %dma_start3A_36 : memref<1x8192xf32, #tpu.memory_space<hbm>> -> memref<8192xf32, #tpu.memory_space<hbm>>
      %dma_start3A_38 = tpu.memref_slice %arg6[%arg1, %mul3A_0] : memref<64x16384xf32, #tpu.memory_space<hbm>> -> memref<1x8192xf32, #tpu.memory_space<hbm>>
      %dma_start3A_39 = tpu.memref_squeeze %dma_start3A_38 : memref<1x8192xf32, #tpu.memory_space<hbm>> -> memref<8192xf32, #tpu.memory_space<hbm>>
      %dma_start3A_40 = arith.constant 0 : i32
      %dma_start3A_41 = tpu.memref_slice %arg7[%dma_start3A_40] : memref<100001xf32, #tpu.memory_space<vmem>> -> memref<8192xf32, #tpu.memory_space<vmem>>
      tpu.enqueue_dma source(%dma_start3A_41 : memref<8192xf32, #tpu.memory_space<vmem>>) target(%dma_start3A_39 : memref<8192xf32, #tpu.memory_space<hbm>>) target_semaphore(%run_scoped3A : memref<!tpu.dma_semaphore, #tpu.memory_space<semaphore_mem>>)
      %dma_wait3A = arith.constant 0 : i32
      %dma_wait3A_42 = tpu.memref_slice %arg7[%dma_wait3A] : memref<100001xf32, #tpu.memory_space<vmem>> -> memref<8192xf32, #tpu.memory_space<vmem>>
      %dma_wait3A_43 = tpu.memref_slice %arg6[%arg1, %mul3A_0] : memref<64x16384xf32, #tpu.memory_space<hbm>> -> memref<1x8192xf32, #tpu.memory_space<hbm>>
      %dma_wait3A_44 = tpu.memref_squeeze %dma_wait3A_43 : memref<1x8192xf32, #tpu.memory_space<hbm>> -> memref<8192xf32, #tpu.memory_space<hbm>>
      %dma_wait3A_45 = tpu.memref_slice %arg6[%arg1, %mul3A_0] : memref<64x16384xf32, #tpu.memory_space<hbm>> -> memref<1x8192xf32, #tpu.memory_space<hbm>>
      %dma_wait3A_46 = tpu.memref_squeeze %dma_wait3A_45 : memref<1x8192xf32, #tpu.memory_space<hbm>> -> memref<8192xf32, #tpu.memory_space<hbm>>
      %dma_wait3A_47 = arith.constant 0 : i32
      %dma_wait3A_48 = tpu.memref_slice %arg7[%dma_wait3A_47] : memref<100001xf32, #tpu.memory_space<vmem>> -> memref<8192xf32, #tpu.memory_space<vmem>>
      tpu.wait_dma2 semaphore(%run_scoped3A : memref<!tpu.dma_semaphore, #tpu.memory_space<semaphore_mem>>) src(%dma_wait3A_48 : memref<8192xf32, #tpu.memory_space<vmem>>) dst(%dma_wait3A_46 : memref<8192xf32, #tpu.memory_space<hbm>>)
      tpu.yield
    }) : () -> ()
    return
  }
}

</mosaic_0001>

<sc_bundles>
// kernel: kernel.3.cloned.1.call-start
scs
__scs_entry_jumppad:
0x0: {  	(pc) =	sbr.rel $0x88, $3  }
0x1: {  	(tag) =	ssettag $0x0;
	lr =	simm.s32 $0x1  }
0x2: {  	[smem:$0x3F9D] =	sst lr;
	_ =	strace $0xD0000000  }
0x3: {  	_ = 	snop  }
0x4: {  	_ = 	snop  }
0x5: {  	_ = 	snop  }
0x6: {  	_ = 	snop  }
0x7: {  	_ = 	snop  }
__scs_overlays_trampoline_lowered:
0x8: {  	[smem:$0x3FAC] =	sst s0  }
0x9: {  	[smem:$0x3FAD] =	sst s1  }
0xa: {  	[smem:$0x3FAE] =	sst s2  }
0xb: {  	[smem:$0x3FAF] =	sst s3  }
0xc: {  	[smem:$0x3FB0] =	sst s4  }
0xd: {  	[smem:$0x3FB1] =	sst s5  }
0xe: {  	[smem:$0x3FB2] =	sst s6  }
0xf: {  	[smem:$0x3FB3] =	sst s7  }
0x10: {  	[smem:$0x3FB4] =	sst s8  }
0x11: {  	[smem:$0x3FB5] =	sst s9;
	s0 =	simm.s32 @!p0 $0x0  }
0x12: {  	s1 =	sld [smem:$0x3F9B];
	s0 =	simm.s32 @p0 $0x1  }
0x13: {  	[smem:$0x3FB6] =	sst s0;
	s0 =	simm.s32 @!p1 $0x0  }
0x14: {  	s2 =	sld [smem:$0x3F9A];
	s0 =	simm.s32 @p1 $0x1  }
0x15: {  	[smem:$0x3FB7] =	sst s0;
	s0 =	simm.s32 @!p2 $0x0  }
0x16: {  	s3 =	sld [smem:$0x3FDB];
	s0 =	simm.s32 @p2 $0x1  }
0x17: {  	s4 =	simm.s32 $0x1BF5;
	[smem:$0x3FB9] =	sst s0  }
0x18: {  	s0 =	sld [smem:$0x3F9C];
	_ =	swait.ge [sflag:s4], $0x0  }
0x19: {  	s7 =	sld [smem:$0x3F9D]  }
0x1a: {  	s8 =	sadd.s32 $0xFFFFE003, lr  }
0x1b: {  	s9 =	sadd.s32 $0xFFFFFEF7, lr;
	s5 =	simm.s32 $0xFFFFFFFF;
	p2 =	slt.u32 s8, $0xFFFFF086  }
0x1c: {  	p1 =	slt.u32 s9, $0xF7A;
	s5 =	simm.s32 @!p2 $0x0  }
0x1d: {  	s5 =	simm.s32 @p1 $0x1;
	p0 =	seq.s32 s7, s2  }
0x1e: {  	s7 =	smul.u32 @!p0 $0xF7A, s2;
	p2 =	seq.s32 @!p0 s5, $0x0  }
0x1f: {  	s9 =	smul.u32 $0xF7A, s1;
	s8 =	simm.s32 @!p0 $0x1BF5;
	p2 =	por !p2, p0  }
0x20: {  	[sflag:s8] =	ssyncset.s32 @!p0 $0xFFFFF086;
	s6 =	sadd.s32 @!p0 s3, s7;
	s7 =	simm.s32 @!p0 $0x108  }
0x21: {  	s3 =	sadd.s32 s3, s9;
	s6 =	sadd.s32 @!p0 $0x88, s6;
	s7 =	simm.s32 @p2 $0x1082  }
0x22: {  	[simem:s7], [sflag:s8] =	dma.local @!p0 [hbm:s6], $0xF7A  }
0x23: {  	s9 =	sor.u32 $0xD0000000, s2;
	s6 =	simm.s32 $0x108;
	_ =	swait.ge @!p0 [sflag:s8], $0x0  }
0x24: {  	s3 =	sadd.s32 $0x88, s3;
	s6 =	simm.s32 @!p1 $0x1082;
	[sflag:s4] =	ssyncset.s32 $0xFFFFF086  }
0x25: {  	[simem:s6], [sflag:s4] =	dma.local [hbm:s3], $0xF7A  }
0x26: {  	[smem:$0x3F9D] =	sst s1;
	(tag) =	ssettag s2;
	_ =	strace s9  }
0x27: {  	s1 =	sld [smem:$0x3FAD]  }
0x28: {  	s2 =	sld [smem:$0x3FAE]  }
0x29: {  	s4 =	sld [smem:$0x3FB0]  }
0x2a: {  	p0 =	seq.s32 s5, $0x0;
	s5 =	sld [smem:$0x3FB1]  }
0x2b: {  	s6 =	sld [smem:$0x3FB2]  }
0x2c: {  	s7 =	sld [smem:$0x3FB3]  }
0x2d: {  	s3 =	simm.s32 $0x108;
	s8 =	sld [smem:$0x3FB4]  }
0x2e: {  	s3 =	simm.s32 @!p0 $0x1082;
	s9 =	sld [smem:$0x3FB5]  }
0x2f: {  	lr =	sadd.s32 s0, s3;
	s0 =	sld [smem:$0x3FAC]  }
0x30: {  	s3 =	sld [smem:$0x3FAF]  }
0x31: {  	[smem:$0x3FB8] =	sst s10  }
0x32: {  	s10 =	sld [smem:$0x3FB6];
	_ =	sdelay $0x3  }
0x33: {  	p0 =	seq.s32 s10, $0x1;
	s10 =	sld [smem:$0x3FB8];
	_ =	sdelay $0x3  }
0x34: {  	[smem:$0x3FB8] =	sst s10  }
0x35: {  	s10 =	sld [smem:$0x3FB7];
	_ =	sdelay $0x3  }
0x36: {  	p1 =	seq.s32 s10, $0x1;
	s10 =	sld [smem:$0x3FB8];
	_ =	sdelay $0x3  }
0x37: {  	[smem:$0x3FB8] =	sst s10  }
0x38: {  	s10 =	sld [smem:$0x3FB9]  }
0x39: {  	_ = 	snop;
	(pc) =	sbr.ind lr, $3  }
0x3a: {  	_ = 	snop  }
0x3b: {  	_ = 	snop  }
0x3c: {  	p2 =	seq.s32 s10, $0x1;
	s10 =	sld [smem:$0x3FB8]  }
0x3d: {  	_ =	shalt  }
0x3e: {  	_ =	shalt  }
0x3f: {  	_ =	shalt  }
0x40: {  	_ =	shalt  }
0x41: {  	_ =	shalt  }
0x42: {  	_ =	shalt  }
0x43: {  	_ =	shalt  }
0x44: {  	_ =	shalt  }
0x45: {  	_ =	shalt  }
0x46: {  	_ =	shalt  }
0x47: {  	_ =	shalt  }
0x48: {  	_ =	shalt  }
0x49: {  	_ =	shalt  }
0x4a: {  	_ =	shalt  }
0x4b: {  	_ =	shalt  }
0x4c: {  	_ =	shalt  }
0x4d: {  	_ =	shalt  }
0x4e: {  	_ =	shalt  }
0x4f: {  	_ =	shalt  }
0x50: {  	_ =	shalt  }
0x51: {  	_ =	shalt  }
0x52: {  	_ =	shalt  }
0x53: {  	_ =	shalt  }
0x54: {  	_ =	shalt  }
0x55: {  	_ =	shalt  }
0x56: {  	_ =	shalt  }
0x57: {  	_ =	shalt  }
0x58: {  	_ =	shalt  }
0x59: {  	_ =	shalt  }
0x5a: {  	_ =	shalt  }
0x5b: {  	_ =	shalt  }
0x5c: {  	_ =	shalt  }
0x5d: {  	_ =	shalt  }
0x5e: {  	_ =	shalt  }
0x5f: {  	_ =	shalt  }
0x60: {  	_ =	shalt  }
0x61: {  	_ =	shalt  }
0x62: {  	_ =	shalt  }
0x63: {  	_ =	shalt  }
0x64: {  	_ =	shalt  }
0x65: {  	_ =	shalt  }
0x66: {  	_ =	shalt  }
0x67: {  	_ =	shalt  }
0x68: {  	_ =	shalt  }
0x69: {  	_ =	shalt  }
0x6a: {  	_ =	shalt  }
0x6b: {  	_ =	shalt  }
0x6c: {  	_ =	shalt  }
0x6d: {  	_ =	shalt  }
0x6e: {  	_ =	shalt  }
0x6f: {  	_ =	shalt  }
0x70: {  	_ =	shalt  }
0x71: {  	_ =	shalt  }
0x72: {  	_ =	shalt  }
0x73: {  	_ =	shalt  }
0x74: {  	_ =	shalt  }
0x75: {  	_ =	shalt  }
0x76: {  	_ =	shalt  }
0x77: {  	_ =	shalt  }
0x78: {  	_ =	shalt  }
0x79: {  	_ =	shalt  }
0x7a: {  	_ =	shalt  }
0x7b: {  	_ =	shalt  }
0x7c: {  	_ =	shalt  }
0x7d: {  	_ =	shalt  }
0x7e: {  	_ =	shalt  }
0x7f: {  	_ =	shalt  }
0x80: {  	_ =	shalt  }
0x81: {  	_ =	shalt  }
0x82: {  	_ =	shalt  }
0x83: {  	_ =	shalt  }
0x84: {  	_ =	shalt  }
0x85: {  	_ =	shalt  }
0x86: {  	_ =	shalt  }
0x87: {  	_ =	shalt  }
.Lfunc_end0:
.L_simem_size_0:
called_computation_lowered:
.L_overlay_start_0:
0x88: {  	s2 =	sld [smem:$0x3FD9]  }
0x89: {  	s3 =	sld [smem:$0x3FFE];
	_ =	sdelay $0x1  }
0x8a: {  	s1 =	srdreg.scid  }
0x8b: {  	s0 =	sand.u32 $0x1, s1  }
0x8c: {  	s18 =	sshll.u32 s0, $0xA;
	s2 =	sadd.s32 s3, s2  }
0x8d: {  	s2 =	sadd.s32 s2, s18  }
0x8e: {  	[smem:$0x3FC4] =	sst s2  }
0x8f: {  	_ = 	snop  }
0x90: {  	s2 =	sld [smem:$0x3FC8]  }
0x91: {  	s19 =	sld [smem:$0x3FC7]  }
0x92: {  	s4 =	sld [smem:$0x3FC6]  }
0x93: {  	s5 =	sld [smem:$0x3FD0];
	(tm) =	ssettm $0x1  }
0x94: {  	s6 =	sld [smem:$0x3FFB];
	_ =	sdelay $0x3  }
0x95: {  	_ =	strace s6  }
0x96: {  	s6 =	sld [smem:$0x3FFC];
	_ =	sdelay $0x3  }
0x97: {  	_ =	strace s6  }
0x98: {  	s6 =	sld [smem:$0x3FFD];
	_ =	sdelay $0x3  }
0x99: {  	_ =	strace s6  }
0x9a: {  	_ =	strace $0x8FFFFFFF  }
0x9b: {  	s20 =	sld [smem:$0x3FDB];
	_ =	sdelay $0x1  }
0x9c: {  	s7 =	simm.s32 $_scs_section_size  }
0x9d: {  	s8 =	simm.s32 $_size__tile_overlayer_lowered;
	s9 =	simm.s32 $_tile_overlayer_lowered  }
0x9e: {  	s23 =	simm.s32 $0x1BFF;
	s22 =	sshll.u32 s9, $0x1;
	s6 =	sadd.s32 s7, s20  }
0x9f: {  	s10 =	simm.s32 $0x0;
	s21 =	sshll.u32 s8, $0x1;
	s8 =	sadd.s32 s22, s6  }
0xa0: {  	[timem:s10], [sflag:s23] =	dma.local [hbm:s8], s21  }
0xa1: {  	_ =	swait.ge [sflag:s23], s21  }
0xa2: {  	s7 =	ssub.s32 $0x0, s21;
	[sflag:s23] =	ssyncset.done $0x0  }
0xa3: {  	[sflag:s23] =	ssyncadd.s32 s7;
	_ =	sdelay $0x1  }
0xa4: {  	s24 =	simm.s32 $0x1B8B  }
0xa5: {  	_ =	swait.ge [sflag:s24], $0x1  }
0xa6: {  	[sflag:s24] =	ssyncset.done $0x0  }
0xa7: {  	s25 =	simm.s32 $0x1B8E;
	[sflag:s24] =	ssyncadd.s32 $0xFFFFFFFF  }
0xa8: {  	s26 =	simm.s32 $execute0_lowered;
	[smem:$0x3FD2] =	sst s25  }
0xa9: {  	s7 =	sshll.u32 s26, $0x1;
	_ =	strace $0x80000046;
	[dreg:$0x1] =	wrdreg $0xFFFFFFFF  }
0xaa: {  	s28 =	simm.s32 $_size_execute0_lowered;
	s6 =	sadd.s32 s6, s7;
	[dreg:$0x0] =	wrdreg $0x0  }
0xab: {  	s7 =	sshll.u32 s28, $0x1;
	[dreg:$0x2] =	wrdreg s6  }
0xac: {  	[dreg:$0x3] =	wrdreg s7  }
0xad: {  	[dreg:$0x4] =	wrdreg $0xC0  }
0xae: {  	_ =	task [dreg:s10], $0x5FFFF  }
0xaf: {  	[dreg:$0x1] =	wrdreg $0xFFFFFFFF  }
0xb0: {  	[dreg:$0x0] =	wrdreg $0x60  }
0xb1: {  	[dreg:$0x2] =	wrdreg s2  }
0xb2: {  	[dreg:$0x3] =	wrdreg s19  }
0xb3: {  	[dreg:$0x4] =	wrdreg s4  }
0xb4: {  	[dreg:$0x5] =	wrdreg s5  }
0xb5: {  	[dreg:$0x6] =	wrdreg $0x9  }
0xb6: {  	_ =	task.clear_ibuf [dreg:s10], $0x7FFFF;
	_ =	strace $0x90000046  }
0xb7: {  	s29 =	simm.s32 $0x9;
	_ =	strace $0x80000048  }
0xb8: {  	_ =	swait.ge [sflag:s29], $0x1  }
0xb9: {  	[sflag:s29] =	ssyncadd.s32 $0xFFFFFFFF  }
0xba: {  	_ =	strace $0x90000048  }
0xbb: {  	_ =	sfence  }
0xbc: {  	s30 =	sld [smem:$0x0];
	_ =	sdelay $0x2  }
0xbd: {  	s31 =	sshll.u32 s1, $0xD;
	s1 =	sshrl.u32 s1, $0x2  }
0xbe: {  	s3 =	sand.u32 $0x4000, s31;
	s1 =	sadd.s32 s1, s30  }
0xbf: {  	s0 =	sor.u32 s3, s0;
	s1 =	sshll.u32 s1, $0x11  }
0xc0: {  	s0 =	sor.u32 s1, s0  }
0xc1: {  	s0 =	sadd.s32 $0x8F2B, s0  }
0xc2: {  	[sflag:s0] =	ssyncadd.remote.s32 $0x1  }
0xc3: {  	_ =	sfence.sel $0xFFFF  }
0xc4: {  	[dreg:$0x0] =	wrdreg $0xFFFFFFFF;
	(pc) =	sbr.abs _section_cstart, $3  }
0xc5: {  	[dreg:$0x1] =	wrdreg $0xFFFFFFFF  }
0xc6: {  	_ =	task.clear_ibuf [dreg:s10], $0x2FFFF;
	_ =	strace $0x9FFFFFFF  }
0xc7: {  	(tm) =	ssettm $0x7FFFFFFF  }
tec
execute0_lowered:
.L_overlay_start_1:
0x0: {  	(tag) =	ssettag $0x1  }
0x1: {  	s8 =	rddreg [dreg:$0x0]  }
0x2: {  	s1 =	rddreg [dreg:$0x1]  }
0x3: {  	s2 =	rddreg [dreg:$0x2]  }
0x4: {  	s13 =	rddreg [dreg:$0x3]  }
0x5: {  	s0 =	rddreg [dreg:$0x4];
	s3 =	simm.s32 $0x0  }
0x6: {  	[smem:$0x7FF] =	sst s3  }
0x7: {  	s6 =	simm.s32 $0x18780;
	s4 =	simm.s32 $0x1;
	_ =	strace $0x80000047  }
0x8: {  	[tilespmem:s6], [sflag:$0x1] =	stream.linear.gather [hbm4b:s1+s3], $0x40, $0x38;
	[tilespmem:$0x18800] =	vst v63  }
0x9: {  	_ =	swait.ge [sflag:s4], $0x40  }
0xa: {  	[sflag:s4] =	ssyncset.done $0x0  }
0xb: {  	s7 =	simm.s32 $0x187C0;
	[sflag:s4] =	ssyncadd.s32 $0xFFFFFFC0  }
0xc: {  	[tilespmem:s7], [sflag:$0x1] =	stream.linear.gather [hbm4b:s2+s3], $0x40, $0x38;
	[tilespmem:$0x18800] =	vst v63  }
0xd: {  	s5 =	stileid.u32;
	_ =	swait.ge [sflag:s4], $0x40  }
0xe: {  	v0 =	vlaneseq.u32;
	s9 =	sshrl.u32 s5, $0x1;
	[sflag:s4] =	ssyncset.done $0x0  }
0xf: {  	s10 =	sshll.u32 s5, $0x9;
	v1 =	vor.u32 $0x30, v0;
	s9 =	smul.u32 $0xC3800, s9;
	[sflag:s4] =	ssyncadd.s32 $0xFFFFFFC0  }
0x10: {  	v2 =	vor.u32 $0x20, v0;
	s10 =	sand.u32 $0x200, s10;
	[tilespmem:$0x18730] =	vst v1  }
0x11: {  	s9 =	sor.u32 s10, s9;
	[tilespmem:$0x18720] =	vst v2  }
0x12: {  	v3 =	vor.u32 $0x10, v0;
	s9 =	sshrl.u32 s9, $0x3;
	[tilespmem:$0x18700] =	vst v0  }
0x13: {  	s10 =	simm.s32 $0x400;
	s9 =	sadd.s32 s8, s9;
	s8 =	simm.s32 $0x80;
	[tilespmem:$0x18710] =	vst v3  }
0x14: {  	[tilespmem:s3], [sflag:$0x1] =	stream.strided.gather [hbm4b:s9+s8], $0x18700, s10, s8, $0x38;
	[tilespmem:$0x18800] =	vst v63  }
0x15: {  	_ =	swait.ge [sflag:s4], $0x18700  }
0x16: {  	s11 =	srdreg.scid;
	[sflag:s4] =	ssyncset.done $0x0  }
0x17: {  	s14 =	sand.u32 $0x1, s11;
	s11 =	sadd.s32 $0x10, s9;
	[sflag:s4] =	ssyncadd.s32 $0xFFFE7900  }
0x18: {  	[tilespmem:s3], [sflag:$0x1] =	stream.strided.gather [hbm4b:s11+s8], $0x18700, s10, s8, $0x38;
	[tilespmem:$0x18800] =	vst v63  }
0x19: {  	s12 =	ssub.s32 $0x2, s14;
	_ =	swait.ge [sflag:s4], $0x18700  }
0x1a: {  	s16 =	sshll.u32 s5, $0xB;
	s15 =	sshrl.u32 s12, $0x1;
	[sflag:s4] =	ssyncset.done $0x0  }
0x1b: {  	s15 =	ssub.s32 s12, s15;
	s12 =	sadd.s32 $0x20, s9;
	[sflag:s4] =	ssyncadd.s32 $0xFFFE7900  }
0x1c: {  	[tilespmem:s3], [sflag:$0x1] =	stream.strided.gather [hbm4b:s12+s8], $0x18700, s10, s8, $0x38;
	[tilespmem:$0x18800] =	vst v63  }
0x1d: {  	s14 =	sshll.u32 s14, $0xD;
	s15 =	smax.u32 s15, $0x1;
	_ =	swait.ge [sflag:s4], $0x18700  }
0x1e: {  	s14 =	sadd.s32 s13, s14;
	p0 =	sne.s32 s15, $0x1;
	[sflag:s4] =	ssyncset.done $0x0  }
.Ltmp0:
0x1f: {  	s13 =	sadd.s32 $0x30, s9;
	[sflag:s4] =	ssyncadd.s32 $0xFFFE7900;
	(pc) =	sbr.rel @!p0 .LBB2_2-.Ltmp0, $4  }
0x20: {  	[tilespmem:s3], [sflag:$0x1] =	stream.strided.gather [hbm4b:s13+s8], $0x18700, s10, s8, $0x38;
	[tilespmem:$0x18800] =	vst v63  }
0x21: {  	s31 =	sshll.u32 s5, $0x4;
	s16 =	sand.u32 $0x4000, s16;
	_ =	swait.ge [sflag:s4], $0x18700  }
0x22: {  	s14 =	sadd.s32 s16, s14;
	s16 =	sand.u32 $0x70, s31;
	[sflag:s4] =	ssyncset.done $0x0  }
0x23: {  	s14 =	sadd.s32 s16, s14;
	s15 =	sadd.s32 $0xFFFFFFFF, s15;
	[sflag:s4] =	ssyncadd.s32 $0xFFFE7900  }
.LBB2_1:
0x24: {  	[hbm4b:s14+s8] =	stream.strided.scatter [tilespmem:s3], [sflag:$0x1], $0x2000, s10, s8, $0x38;
	[tilespmem:$0x18800] =	vst v63  }
0x25: {  	p0 =	sne.s32 s15, $0x1;
	s15 =	sadd.s32 $0xFFFFFFFF, s15;
	_ =	swait.ge [sflag:s4], $0x2000  }
0x26: {  	[sflag:s4] =	ssyncset.done $0x0  }
0x27: {  	[sflag:s4] =	ssyncadd.s32 $0xFFFFE000  }
0x28: {  	[tilespmem:s6], [sflag:$0x1] =	stream.linear.gather [hbm4b:s1+s3], $0x40, $0x38;
	[tilespmem:$0x18800] =	vst v63  }
0x29: {  	_ =	swait.ge [sflag:s4], $0x40  }
0x2a: {  	[sflag:s4] =	ssyncset.done $0x0  }
0x2b: {  	[sflag:s4] =	ssyncadd.s32 $0xFFFFFFC0  }
0x2c: {  	[tilespmem:s7], [sflag:$0x1] =	stream.linear.gather [hbm4b:s2+s3], $0x40, $0x38;
	[tilespmem:$0x18800] =	vst v63  }
0x2d: {  	_ =	swait.ge [sflag:s4], $0x40  }
0x2e: {  	[sflag:s4] =	ssyncset.done $0x0  }
0x2f: {  	[sflag:s4] =	ssyncadd.s32 $0xFFFFFFC0  }
0x30: {  	[tilespmem:$0x18730] =	vst v1  }
0x31: {  	[tilespmem:$0x18720] =	vst v2  }
0x32: {  	[tilespmem:$0x18700] =	vst v0  }
0x33: {  	[tilespmem:$0x18710] =	vst v3  }
0x34: {  	[tilespmem:s3], [sflag:$0x1] =	stream.strided.gather [hbm4b:s9+s8], $0x18700, s10, s8, $0x38;
	[tilespmem:$0x18800] =	vst v63  }
0x35: {  	_ =	swait.ge [sflag:s4], $0x18700  }
0x36: {  	[sflag:s4] =	ssyncset.done $0x0  }
0x37: {  	[sflag:s4] =	ssyncadd.s32 $0xFFFE7900  }
0x38: {  	[tilespmem:s3], [sflag:$0x1] =	stream.strided.gather [hbm4b:s11+s8], $0x18700, s10, s8, $0x38;
	[tilespmem:$0x18800] =	vst v63  }
0x39: {  	_ =	swait.ge [sflag:s4], $0x18700  }
0x3a: {  	[sflag:s4] =	ssyncset.done $0x0  }
0x3b: {  	[sflag:s4] =	ssyncadd.s32 $0xFFFE7900  }
0x3c: {  	[tilespmem:s3], [sflag:$0x1] =	stream.strided.gather [hbm4b:s12+s8], $0x18700, s10, s8, $0x38;
	[tilespmem:$0x18800] =	vst v63  }
0x3d: {  	_ =	swait.ge [sflag:s4], $0x18700  }
0x3e: {  	[sflag:s4] =	ssyncset.done $0x0  }
.Ltmp1:
0x3f: {  	[sflag:s4] =	ssyncadd.s32 $0xFFFE7900;
	(pc) =	sbr.rel @p0 .LBB2_1-.Ltmp1, $4  }
0x40: {  	[tilespmem:s3], [sflag:$0x1] =	stream.strided.gather [hbm4b:s13+s8], $0x18700, s10, s8, $0x38;
	[tilespmem:$0x18800] =	vst v63  }
0x41: {  	_ =	swait.ge [sflag:s4], $0x18700  }
0x42: {  	[sflag:s4] =	ssyncset.done $0x0  }
0x43: {  	[sflag:s4] =	ssyncadd.s32 $0xFFFE7900  }
.LBB2_2:
0x44: {  	[hbm4b:s14+s8] =	stream.strided.scatter [tilespmem:s3], [sflag:$0x1], $0x2000, s10, s8, $0x38;
	[tilespmem:$0x18800] =	vst v63  }
0x45: {  	_ =	swait.ge [sflag:s4], $0x2000  }
0x46: {  	[sflag:s4] =	ssyncset.done $0x0  }
0x47: {  	[sflag:s4] =	ssyncadd.s32 $0xFFFFE000  }
0x48: {  	_ =	sfence.sel $0x180000  }
0x49: {  	[bflag:$0x0] =	sbarrier.arrive $0xFFFF  }
0x4a: {  	p0 =	sne.s32 s5, $0x0;
	_ =	strace $0x90000047  }
0x4b: {  	s0 =	sadd.s32 @!p0 $0x100000, s0;
	[bflag:$0x2] =	sbarrier.arrive $0xFFFF  }
0x4c: {  	[sflag:s0] =	ssyncadd.tile.s32 @!p0 $0x1;
	_ =	shalt  }
.Lfunc_end2:
_tile_overlayer_lowered:
.L_overlay_start_2:
0x4d: {  	(tag) =	ssettag $0x2  }
0x4e: {  	s0 =	rddreg [dreg:$0x0];
	s2 =	stileid.u32  }
0x4f: {  	s1 =	rddreg [dreg:$0x1];
	p0 =	sne.s32 s2, $0x0  }
0x50: {  	s3 =	rddreg [dreg:$0x2];
	[bflag:$0x3] =	sbarrier.arrive $0xFFFF;
	s2 =	simm.s32 @!p0 $0x1C01  }
0x51: {  	[timem:s3], [sflag:s2] =	dma.local @!p0 [hbm:s0], s1  }
0x52: {  	s0 =	simm.s32 @!p0 $0x1  }
0x53: {  	_ =	swait.ge @!p0 [sflag:s0], s1  }
0x54: {  	s1 =	ssub.s32 @!p0 $0x0, s1;
	[sflag:s0] =	ssyncset.done @!p0 $0x0  }
0x55: {  	[sflag:s0] =	ssyncadd.s32 @!p0 s1  }
0x56: {  	[bflag:$0x3] =	sbarrier.arrive $0xFFFF  }
0x57: {  	_ =	shalt  }

</sc_bundles>
